<compile_context>
chip_gen: v7x
topology: tpu7x:2x2x1
jax: 0.10.2.dev20260603
libtpu: 0.0.44.dev20260713+nightly
codegen_flags: <defaults>
</compile_context>

<pallas_src>
import functools

import jax
import jax.numpy as jnp
import numpy as np
from jax import lax
from jax.experimental import pallas as pl
from jax.experimental.pallas import tpu as pltpu
from jax.experimental.pallas import tpu_sc as plsc

N = 1024
H = 768
BLOCK = 32
QUOTA = 16
SEL = N // 2


GRID = 2
ROWS = N // GRID


def _score_select_body(x_ref, w1_ref, b1_ref, w2_ref, b2_ref, sel_ref, s_scr):
    step = pl.program_id(0)
    x = x_ref[...]
    h = jnp.dot(x, w1_ref[...], preferred_element_type=jnp.float32) + b1_ref[...]
    h = 0.5 * h * (1.0 + lax.erf(h * np.float32(1.0 / np.sqrt(2.0))))
    logit = jnp.dot(h, w2_ref[...], preferred_element_type=jnp.float32) + b2_ref[...]
    s_scr[pl.ds(step * ROWS, ROWS), :] = jax.nn.sigmoid(logit)

    @pl.when(step == GRID - 1)
    def _select():
        s = s_scr[...]
        smin = jnp.min(s)
        smax = jnp.max(s)
        s = (s - smin) / (smax - smin + np.float32(1e-8))
        _select_from_scores(s, sel_ref)


def _select_from_scores(s, sel_ref):
    ii = lax.broadcasted_iota(jnp.int32, (N, N), 0)
    jj = lax.broadcasted_iota(jnp.int32, (N, N), 1)
    s_row = jnp.sum(jnp.where(ii == jj, s, 0.0), axis=0, keepdims=True)

    same_block = (ii // BLOCK) == (jj // BLOCK)
    ahead = (s_row > s) | ((s_row == s) & (jj < ii))
    rank = jnp.sum(jnp.where(ahead & same_block, 1.0, 0.0), axis=1,
                   keepdims=True)
    maskf = (rank < QUOTA).astype(jnp.float32)

    lt_strict = (jj < ii).astype(jnp.float32)
    pos = lax.dot_general(lt_strict, maskf, (((1,), (0,)), ((), ())),
                          preferred_element_type=jnp.float32)

    pp = lax.broadcasted_iota(jnp.int32, (N, SEL), 1)
    onehot = (pos.astype(jnp.int32) == pp) & (maskf > 0)
    idxs = lax.broadcasted_iota(jnp.int32, (N, SEL), 0)
    sel_ref[...] = jnp.sum(jnp.where(onehot, idxs, 0), axis=0,
                           keepdims=True)


def _score_select(x, w1, b1, w2, b2):
    return pl.pallas_call(
        _score_select_body,
        grid=(GRID,),
        in_specs=[
            pl.BlockSpec((ROWS, H), lambda i: (i, 0)),
            pl.BlockSpec((H, H // 2), lambda i: (0, 0)),
            pl.BlockSpec((1, H // 2), lambda i: (0, 0)),
            pl.BlockSpec((H // 2, 1), lambda i: (0, 0)),
            pl.BlockSpec((1, 1), lambda i: (0, 0)),
        ],
        out_specs=pl.BlockSpec((1, SEL), lambda i: (0, 0)),
        out_shape=jax.ShapeDtypeStruct((1, SEL), jnp.int32),
        scratch_shapes=[pltpu.VMEM((N, 1), jnp.float32)],
    )(x, w1, b1.reshape(1, H // 2), w2, b2.reshape(1, 1))


_NC = 2
_NS = 16
_NW = _NC * _NS
_BPW = SEL // _NW

@functools.cache
def _build_gather_sc(num_cores=_NC):
    mesh = plsc.VectorSubcoreMesh(
        core_axis_name="c", subcore_axis_name="s", num_cores=num_cores)
    bpw = SEL // (num_cores * _NS)

    @functools.partial(
        pl.kernel,
        mesh=mesh,
        out_type=jax.ShapeDtypeStruct((SEL, H), jnp.float32),
        scratch_types=[
            pltpu.VMEM((bpw,), jnp.int32),
            pltpu.VMEM((bpw, H), jnp.float32),
            pltpu.SemaphoreType.DMA,
        ],
    )
    def gather_rows_sc(table_hbm, idx_hbm, out_hbm, idx_v, rows_v, sem):
        wid = lax.axis_index("s") * num_cores + lax.axis_index("c")
        base = wid * bpw
        pltpu.sync_copy(idx_hbm.at[pl.ds(base, bpw)], idx_v)
        pltpu.async_copy(table_hbm.at[idx_v], rows_v, sem).wait()
        pltpu.sync_copy(rows_v, out_hbm.at[pl.ds(base, bpw)])

    return gather_rows_sc


def kernel(image_features, W1, b1, W2, b2):
    x = image_features.astype(jnp.float32)
    sel = _score_select(x, W1, b1, W2, b2).reshape(SEL)
    return _build_gather_sc(1)(image_features, sel)

# --- scband reference (transcript-rebuilt; emitter-appended) ---
"""Pipeline reference for scband-adaptive-image-token-pruner-7730941132810 (READ-ONLY COPY).

The authoritative reference and input builder live on the scoring server;
editing this copy changes nothing except your own understanding.
"""

import jax, jax.numpy as jnp
import numpy as np
import heapq

NUM_BRANCHES = 2
MAX_DEPTH = 5
IMPORTANCE_THRESHOLD = 0.8
STD_THRESHOLD = -100.0
TARGET_TOKEN_RATIO = 0.5


def setup_inputs(seed: int = 0) -> dict:
    key = jax.random.key(seed)
    k1, k2, k3 = jax.random.split(key, 3)
    H = 768
    image_features = jax.random.normal(k1, (1024, H), dtype=jnp.float32)
    W1 = jax.random.normal(k2, (H, H // 2), dtype=jnp.float32) * (1.0 / np.sqrt(H))
    b1 = jnp.zeros((H // 2,), dtype=jnp.float32)
    W2 = jax.random.normal(k3, (H // 2, 1), dtype=jnp.float32) * (1.0 / np.sqrt(H // 2))
    b2 = jnp.zeros((1,), dtype=jnp.float32)
    return {"image_features": image_features, "W1": W1, "b1": b1, "W2": W2, "b2": b2}


def _tree_split(token_indices, snp, depth):
    if len(token_indices) == 0:
        return [], []
    seg = snp[token_indices]
    mean_score = np.mean(seg)
    std_score = np.std(seg)
    k = max(1, len(seg) // NUM_BRANCHES)
    top_k_indices = heapq.nlargest(k, range(len(seg)), seg.__getitem__)
    top_k_scores = [seg[i] for i in top_k_indices]
    mean_diff = np.mean(top_k_scores) - mean_score
    should_not_split = (mean_diff > IMPORTANCE_THRESHOLD) and (std_score > STD_THRESHOLD)
    reach_max_depth = depth >= MAX_DEPTH
    too_small = len(token_indices) < NUM_BRANCHES * 2
    if should_not_split or reach_max_depth or too_small:
        return [{"score": seg, "depth": depth}], [token_indices]
    branch_size = len(token_indices) // NUM_BRANCHES
    split_segments = []
    split_indices = []
    for i in range(NUM_BRANCHES):
        start_idx = i * branch_size
        end_idx = len(token_indices) if i == NUM_BRANCHES - 1 else (i + 1) * branch_size
        branch_indices = token_indices[start_idx:end_idx]
        if len(branch_indices) > 0:
            sub_segments, sub_indices = _tree_split(branch_indices, snp, depth + 1)
            split_segments.extend(sub_segments)
            split_indices.extend(sub_indices)
    return split_segments, split_indices


def _select(segments_info, segments_indices, snp, target_num_tokens):
    selected_indices = []
    for segment_info, segment_idx in zip(segments_info, segments_indices):
        depth = segment_info["depth"]
        segment_quota = int(target_num_tokens / NUM_BRANCHES ** depth)
        segment_quota = max(1, min(segment_quota, len(segment_idx)))
        segment_scores = snp[segment_idx]
        top_k_local = heapq.nlargest(segment_quota, range(len(segment_scores)), segment_scores.__getitem__)
        selected_indices.extend([segment_idx[i] for i in top_k_local])
    if len(selected_indices) < target_num_tokens:
        remaining = target_num_tokens - len(selected_indices)
        available_indices = [i for i in range(len(snp)) if i not in selected_indices]
        if len(available_indices) > 0:
            available_scores = [snp[i] for i in available_indices]
            additional = heapq.nlargest(min(remaining, len(available_indices)), range(len(available_scores)), available_scores.__getitem__)
            selected_indices.extend([available_indices[i] for i in additional])
    selected_indices.sort()
    return selected_indices


def reference(image_features, W1, b1, W2, b2):
    x = image_features.astype(jnp.float32)
    num_tokens = x.shape[0]
    target_num_tokens = int(num_tokens * TARGET_TOKEN_RATIO)
    target_num_tokens = min(target_num_tokens, num_tokens)
    # importance scorer: Linear -> GELU -> Linear -> Sigmoid (fp32, like autocast disabled)
    h = jax.nn.gelu(x @ W1 + b1, approximate=False)
    scores = jax.nn.sigmoid(h @ W2 + b2)[:, 0]
    scores_normalized = (scores - scores.min()) / (scores.max() - scores.min() + 1e-08)
    snp = scores_normalized
    selected_mask = jnp.zeros((num_tokens,), dtype=bool)
    active = jnp.ones((1,), dtype=bool)
    for depth in range(MAX_DEPTH + 1):
        num_blocks = NUM_BRANCHES ** depth
        s = num_tokens // num_blocks
        blocks = snp.reshape(num_blocks, s)
        mean_score = jnp.mean(blocks, axis=1)
        std_score = jnp.std(blocks, axis=1)
        k = max(1, s // NUM_BRANCHES)
        order = jnp.argsort(-blocks, axis=1)
        sorted_scores = jnp.take_along_axis(blocks, order, axis=1)
        mean_diff = jnp.mean(sorted_scores[:, :k], axis=1) - mean_score
        should_not_split = (mean_diff > IMPORTANCE_THRESHOLD) & (std_score > STD_THRESHOLD)
        reach_max_depth = depth >= MAX_DEPTH
        too_small = s < NUM_BRANCHES * 2
        if reach_max_depth or too_small:
            is_leaf = active
        else:
            is_leaf = active & should_not_split
        segment_quota = int(target_num_tokens / NUM_BRANCHES ** depth)
        segment_quota = max(1, min(segment_quota, s))
        rank = jnp.argsort(order, axis=1)
        block_top = rank < segment_quota
        selected_mask = selected_mask | (block_top & is_leaf[:, None]).reshape(-1)
        if reach_max_depth or too_small:
            break
        active = jnp.repeat(active & ~should_not_split, NUM_BRANCHES)
    sel = jnp.nonzero(selected_mask, size=target_num_tokens)[0].astype(jnp.int32)
    return jnp.take(image_features, sel, axis=0)

if __name__ == "__main__":
    import jax
    _d = setup_inputs()
    print(jax.jit(kernel)(*tuple(_d.values())))

</pallas_src>

<mosaic_0001>
#map = affine_map<(d0, d1) -> (0, 0)>
#map1 = affine_map<(d0, d1) -> (0)>
module attributes {stable_mosaic.version = 14 : i64} {
  func.func @gather_rows_sc(%arg0: i32, %arg1: i32, %arg2: memref<1024x768xf32, #tpu.memory_space<hbm>>, %arg3: memref<512xi32, #tpu.memory_space<hbm>>, %arg4: memref<512x768xf32, #tpu.memory_space<hbm>>, %arg5: memref<32xi32, #tpu.memory_space<vmem>>, %arg6: memref<32x768xf32, #tpu.memory_space<vmem>>, %arg7: memref<!tpu.dma_semaphore, #tpu.memory_space<semaphore_mem>>) attributes {dimension_semantics = [#tpu.dimension_semantics<core_parallel>, #tpu.dimension_semantics<subcore_parallel>], iteration_bounds = array<i64: 1, 16>, scalar_prefetch = 0 : i64, scratch_operands = 3 : i64, tpu.core_type = #tpu.core_type<sc_vector_subcore>, window_params = [{transform_indices = #map}, {transform_indices = #map1}, {transform_indices = #map}]} {
    %mul3A = arith.constant 1 : i32
    %mul3A_0 = arith.muli %arg1, %mul3A : i32
    %add3A = arith.addi %mul3A_0, %arg0 : i32
    %mul3A_1 = arith.constant 32 : i32
    %mul3A_2 = arith.muli %add3A, %mul3A_1 : i32
    "tpu.region"() ({
      %run_scoped3A = tpu.sem_alloc : memref<!tpu.dma_semaphore, #tpu.memory_space<semaphore_mem>>
      %dma_start3A_7 = tpu.memref_slice %arg3[%mul3A_2] : memref<512xi32, #tpu.memory_space<hbm>> -> memref<32xi32, #tpu.memory_space<hbm>>
      %dma_start3A_8 = tpu.memref_slice %arg3[%mul3A_2] : memref<512xi32, #tpu.memory_space<hbm>> -> memref<32xi32, #tpu.memory_space<hbm>>
      tpu.enqueue_dma source(%dma_start3A_8 : memref<32xi32, #tpu.memory_space<hbm>>) target(%arg5 : memref<32xi32, #tpu.memory_space<vmem>>) target_semaphore(%run_scoped3A : memref<!tpu.dma_semaphore, #tpu.memory_space<semaphore_mem>>)
      %dma_wait3A_9 = tpu.memref_slice %arg3[%mul3A_2] : memref<512xi32, #tpu.memory_space<hbm>> -> memref<32xi32, #tpu.memory_space<hbm>>
      %dma_wait3A_10 = tpu.memref_slice %arg3[%mul3A_2] : memref<512xi32, #tpu.memory_space<hbm>> -> memref<32xi32, #tpu.memory_space<hbm>>
      tpu.wait_dma2 semaphore(%run_scoped3A : memref<!tpu.dma_semaphore, #tpu.memory_space<semaphore_mem>>) src(%dma_wait3A_10 : memref<32xi32, #tpu.memory_space<hbm>>) dst(%arg5 : memref<32xi32, #tpu.memory_space<vmem>>)
      tpu.yield
    }) : () -> ()
    %dma_start3A = arith.constant 0 : i32
    %dma_start3A_3 = arith.constant 0 : i32
    %dma_start3A_4 = tpu.memref_slice %arg2[%dma_start3A, %dma_start3A_3] : memref<1024x768xf32, #tpu.memory_space<hbm>> -> memref<1024x768xf32, #tpu.memory_space<hbm>>
    tpu.enqueue_indirect_dma source(%dma_start3A_4 : memref<1024x768xf32, #tpu.memory_space<hbm>>) target(%arg6 : memref<32x768xf32, #tpu.memory_space<vmem>>) offsets(%arg5 : memref<32xi32, #tpu.memory_space<vmem>>) semaphore(%arg7 : memref<!tpu.dma_semaphore, #tpu.memory_space<semaphore_mem>>)
    %dma_wait3A = arith.constant 0 : i32
    %dma_wait3A_5 = arith.constant 0 : i32
    %dma_wait3A_6 = tpu.memref_slice %arg2[%dma_wait3A, %dma_wait3A_5] : memref<1024x768xf32, #tpu.memory_space<hbm>> -> memref<1024x768xf32, #tpu.memory_space<hbm>>
    tpu.wait_indirect_dma semaphore(%arg7 : memref<!tpu.dma_semaphore, #tpu.memory_space<semaphore_mem>>) src(%dma_wait3A_6 : memref<1024x768xf32, #tpu.memory_space<hbm>>) dst(%arg6 : memref<32x768xf32, #tpu.memory_space<vmem>>)
    "tpu.region"() ({
      %run_scoped3A = tpu.sem_alloc : memref<!tpu.dma_semaphore, #tpu.memory_space<semaphore_mem>>
      %dma_start3A_7 = arith.constant 0 : i32
      %dma_start3A_8 = tpu.memref_slice %arg4[%mul3A_2, %dma_start3A_7] : memref<512x768xf32, #tpu.memory_space<hbm>> -> memref<32x768xf32, #tpu.memory_space<hbm>>
      %dma_start3A_9 = arith.constant 0 : i32
      %dma_start3A_10 = tpu.memref_slice %arg4[%mul3A_2, %dma_start3A_9] : memref<512x768xf32, #tpu.memory_space<hbm>> -> memref<32x768xf32, #tpu.memory_space<hbm>>
      tpu.enqueue_dma source(%arg6 : memref<32x768xf32, #tpu.memory_space<vmem>>) target(%dma_start3A_10 : memref<32x768xf32, #tpu.memory_space<hbm>>) target_semaphore(%run_scoped3A : memref<!tpu.dma_semaphore, #tpu.memory_space<semaphore_mem>>)
      %dma_wait3A_11 = arith.constant 0 : i32
      %dma_wait3A_12 = tpu.memref_slice %arg4[%mul3A_2, %dma_wait3A_11] : memref<512x768xf32, #tpu.memory_space<hbm>> -> memref<32x768xf32, #tpu.memory_space<hbm>>
      %dma_wait3A_13 = arith.constant 0 : i32
      %dma_wait3A_14 = tpu.memref_slice %arg4[%mul3A_2, %dma_wait3A_13] : memref<512x768xf32, #tpu.memory_space<hbm>> -> memref<32x768xf32, #tpu.memory_space<hbm>>
      tpu.wait_dma2 semaphore(%run_scoped3A : memref<!tpu.dma_semaphore, #tpu.memory_space<semaphore_mem>>) src(%arg6 : memref<32x768xf32, #tpu.memory_space<vmem>>) dst(%dma_wait3A_14 : memref<32x768xf32, #tpu.memory_space<hbm>>)
      tpu.yield
    }) : () -> ()
    return
  }
}

module attributes {stable_mosaic.version = 14 : i64} {
  func.func @_score_select_body(%arg0: i32, %arg1: memref<512x768xf32, #tpu.memory_space<vmem>>, %arg2: memref<768x384xf32, #tpu.memory_space<vmem>>, %arg3: memref<1x384xf32, #tpu.memory_space<vmem>>, %arg4: memref<384x1xf32, #tpu.memory_space<vmem>>, %arg5: memref<1x1xf32, #tpu.memory_space<vmem>>, %arg6: memref<1x512xi32, #tpu.memory_space<vmem>>, %arg7: memref<1024x1xf32, #tpu.memory_space<vmem>>) attributes {dimension_semantics = [#tpu.dimension_semantics<arbitrary>], iteration_bounds = array<i64: 2>, scalar_prefetch = 0 : i64, scratch_operands = 1 : i64, tpu.core_type = #tpu.core_type<tc>, window_params = [{transform_indices = @transform_0, window_bounds = array<i64: 512, 768>}, {pipeline_mode = #tpu.pipeline_mode<synchronous>, transform_indices = @transform_1, window_bounds = array<i64: 768, 384>}, {pipeline_mode = #tpu.pipeline_mode<synchronous>, transform_indices = @transform_2, window_bounds = array<i64: 1, 384>}, {pipeline_mode = #tpu.pipeline_mode<synchronous>, transform_indices = @transform_3, window_bounds = array<i64: 384, 1>}, {pipeline_mode = #tpu.pipeline_mode<synchronous>, transform_indices = @transform_4, window_bounds = array<i64: 1, 1>}, {pipeline_mode = #tpu.pipeline_mode<synchronous>, transform_indices = @transform_5, window_bounds = array<i64: 1, 512>}]} {
    %get3A = arith.constant 0 : index
    %get3A_0 = arith.constant 0 : index
    %get3A_1 = vector.load %arg1[%get3A, %get3A_0] : memref<512x768xf32, #tpu.memory_space<vmem>>, vector<512x768xf32>
    %get3A_2 = arith.constant 0 : index
    %get3A_3 = arith.constant 0 : index
    %get3A_4 = vector.load %arg2[%get3A_2, %get3A_3] : memref<768x384xf32, #tpu.memory_space<vmem>>, vector<768x384xf32>
    %dot_general3A = arith.constant dense<0.000000e+00> : vector<512x384xf32>
    %dot_general3A_5 = tpu.matmul %get3A_1, %get3A_4, %dot_general3A {dimension_numbers = #tpu.dot_dimension_numbers<[1], [0], [0], [1], [0, 0, 1, 1], [], []>, transpose_lhs_hint = false} : vector<512x768xf32>, vector<768x384xf32>, vector<512x384xf32> -> vector<512x384xf32>
    %get3A_6 = arith.constant 0 : index
    %get3A_7 = arith.constant 0 : index
    %get3A_8 = vector.load %arg3[%get3A_6, %get3A_7] : memref<1x384xf32, #tpu.memory_space<vmem>>, vector<1x384xf32>
    %add3A = vector.broadcast %get3A_8 : vector<1x384xf32> to vector<512x384xf32>
    %add3A_9 = arith.addf %dot_general3A_5, %add3A : vector<512x384xf32>
    %mul3A = arith.constant 5.000000e-01 : f32
    %mul3A_10 = vector.broadcast %mul3A : f32 to vector<512x384xf32>
    %mul3A_11 = arith.mulf %mul3A_10, %add3A_9 : vector<512x384xf32>
    %mul3A_12 = arith.constant 0.707106769 : f32
    %mul3A_13 = vector.broadcast %mul3A_12 : f32 to vector<512x384xf32>
    %mul3A_14 = arith.mulf %add3A_9, %mul3A_13 : vector<512x384xf32>
    %erf3A = math.erf %mul3A_14 : vector<512x384xf32>
    %add3A_15 = arith.constant 1.000000e+00 : f32
    %add3A_16 = vector.broadcast %add3A_15 : f32 to vector<512x384xf32>
    %add3A_17 = arith.addf %add3A_16, %erf3A : vector<512x384xf32>
    %mul3A_18 = arith.mulf %mul3A_11, %add3A_17 : vector<512x384xf32>
    %get3A_19 = arith.constant 0 : index
    %get3A_20 = arith.constant 0 : index
    %get3A_21 = vector.load %arg4[%get3A_19, %get3A_20] : memref<384x1xf32, #tpu.memory_space<vmem>>, vector<384x1xf32>
    %dot_general3A_22 = arith.constant dense<0.000000e+00> : vector<512x1xf32>
    %dot_general3A_23 = tpu.matmul %mul3A_18, %get3A_21, %dot_general3A_22 {dimension_numbers = #tpu.dot_dimension_numbers<[1], [0], [0], [1], [0, 0, 1, 1], [], []>, transpose_lhs_hint = false} : vector<512x384xf32>, vector<384x1xf32>, vector<512x1xf32> -> vector<512x1xf32>
    %get3A_24 = arith.constant 0 : index
    %get3A_25 = arith.constant 0 : index
    %get3A_26 = vector.load %arg5[%get3A_24, %get3A_25] : memref<1x1xf32, #tpu.memory_space<vmem>>, vector<1x1xf32>
    %add3A_27 = vector.broadcast %get3A_26 : vector<1x1xf32> to vector<512x1xf32>
    %add3A_28 = arith.addf %dot_general3A_23, %add3A_27 : vector<512x1xf32>
    %logistic3A = arith.negf %add3A_28 : vector<512x1xf32>
    %logistic3A_29 = math.exp %logistic3A : vector<512x1xf32>
    %logistic3A_30 = arith.constant 1.000000e+00 : f32
    %logistic3A_31 = vector.broadcast %logistic3A_30 : f32 to vector<512x1xf32>
    %logistic3A_32 = arith.addf %logistic3A_31, %logistic3A_29 : vector<512x1xf32>
    %logistic3A_33 = arith.divf %logistic3A_31, %logistic3A_32 : vector<512x1xf32>
    %mul3A_34 = arith.constant 512 : i32
    %mul3A_35 = arith.muli %arg0, %mul3A_34 : i32
    %swap3A = arith.index_cast %mul3A_35 : i32 to index
    %swap3A_36 = arith.constant 0 : index
    %swap3A_37 = vector.load %arg7[%swap3A, %swap3A_36] : memref<1024x1xf32, #tpu.memory_space<vmem>>, vector<512x1xf32>
    tpu.vector_store %arg7[%swap3A, %swap3A_36], %logistic3A_33 {strides = array<i32>} : memref<1024x1xf32, #tpu.memory_space<vmem>>, vector<512x1xf32>,
    %eq3A = arith.constant 1 : i32
    %eq3A_38 = arith.cmpi eq, %arg0, %eq3A : i32
    %convert_element_type3A = arith.extui %eq3A_38 : i1 to i32
    %cond3A = arith.constant 0 : i32
    %cond3A_39 = arith.cmpi ne, %convert_element_type3A, %cond3A : i32
    scf.if %cond3A_39 {
      %get3A_40 = arith.constant 0 : index
      %get3A_41 = arith.constant 0 : index
      %get3A_42 = vector.load %arg7[%get3A_40, %get3A_41] : memref<1024x1xf32, #tpu.memory_space<vmem>>, vector<1024x1xf32>
      %reduce_min3A = vector.shape_cast %get3A_42 : vector<1024x1xf32> to vector<1x1024x1xf32>
      %reduce_min3A_43 = arith.constant dense<0x7F800000> : vector<1xf32>
      %reduce_min3A_44 = vector.multi_reduction <minimumf>, %reduce_min3A, %reduce_min3A_43 [1, 2] : vector<1x1024x1xf32> to vector<1xf32>
      %reduce_min3A_45 = vector.shape_cast %reduce_min3A_44 : vector<1xf32> to vector<1x1x1xf32>
      %reduce_min3A_46 = vector.extract %reduce_min3A_45[0, 0, 0] : f32 from vector<1x1x1xf32>
      %reduce_max3A = vector.shape_cast %get3A_42 : vector<1024x1xf32> to vector<1x1024x1xf32>
      %reduce_max3A_47 = arith.constant dense<0xFF800000> : vector<1xf32>
      %reduce_max3A_48 = vector.multi_reduction <maximumf>, %reduce_max3A, %reduce_max3A_47 [1, 2] : vector<1x1024x1xf32> to vector<1xf32>
      %reduce_max3A_49 = vector.shape_cast %reduce_max3A_48 : vector<1xf32> to vector<1x1x1xf32>
      %reduce_max3A_50 = vector.extract %reduce_max3A_49[0, 0, 0] : f32 from vector<1x1x1xf32>
      %sub3A = vector.broadcast %reduce_min3A_46 : f32 to vector<1024x1xf32>
      %sub3A_51 = arith.subf %get3A_42, %sub3A : vector<1024x1xf32>
      %sub3A_52 = arith.subf %reduce_max3A_50, %reduce_min3A_46 : f32
      %add3A_53 = arith.constant 9.99999993E-9 : f32
      %add3A_54 = arith.addf %sub3A_52, %add3A_53 : f32
      %div3A = vector.broadcast %add3A_54 : f32 to vector<1024x1xf32>
      %div3A_55 = arith.divf %sub3A_51, %div3A : vector<1024x1xf32>
      %iota3A = tpu.iota {dimensions = array<i32: 0>} : vector<1024x1024xi32>
      %iota3A_56 = tpu.iota {dimensions = array<i32: 1>} : vector<1024x1024xi32>
      %eq3A_57 = arith.cmpi eq, %iota3A, %iota3A_56 : vector<1024x1024xi32>
      %jit3A = arith.constant 0.000000e+00 : f32
      %broadcast_in_dim3A = vector.shape_cast %div3A_55 : vector<1024x1xf32> to vector<1024x1xf32>
      %broadcast_in_dim3A_58 = vector.broadcast %broadcast_in_dim3A : vector<1024x1xf32> to vector<1024x1024xf32>
      %broadcast_in_dim3A_59 = vector.broadcast %jit3A : f32 to vector<1024x1024xf32>
      %select_n3A = arith.select %eq3A_57, %broadcast_in_dim3A_58, %broadcast_in_dim3A_59 : vector<1024x1024xi1>, vector<1024x1024xf32>
      %reduce_sum3A = arith.constant dense<0.000000e+00> : vector<1024xf32>
      %reduce_sum3A_60 = vector.multi_reduction <add>, %select_n3A, %reduce_sum3A [0] : vector<1024x1024xf32> to vector<1024xf32>
      %broadcast_in_dim3A_61 = vector.shape_cast %reduce_sum3A_60 : vector<1024xf32> to vector<1x1024xf32>
      %jit3A_62 = arith.constant 32 : i32
      %div3A_63 = vector.broadcast %jit3A_62 : i32 to vector<1024x1024xi32>
      %div3A_64 = arith.divsi %iota3A, %div3A_63 : vector<1024x1024xi32>
      %sign3A = arith.constant 0 : i32
      %sign3A_65 = vector.broadcast %sign3A : i32 to vector<1024x1024xi32>
      %sign3A_66 = arith.cmpi sgt, %iota3A, %sign3A_65 : vector<1024x1024xi32>
      %sign3A_67 = arith.extui %sign3A_66 : vector<1024x1024xi1> to vector<1024x1024xi32>
      %sign3A_68 = arith.constant 0 : i32
      %sign3A_69 = vector.broadcast %sign3A_68 : i32 to vector<1024x1024xi32>
      %sign3A_70 = arith.cmpi slt, %iota3A, %sign3A_69 : vector<1024x1024xi32>
      %sign3A_71 = arith.extui %sign3A_70 : vector<1024x1024xi1> to vector<1024x1024xi32>
      %sign3A_72 = arith.subi %sign3A_67, %sign3A_71 : vector<1024x1024xi32>
      %sign3A_73 = arith.constant 0 : i32
      %sign3A_74 = arith.cmpi sgt, %jit3A_62, %sign3A_73 : i32
      %sign3A_75 = arith.extui %sign3A_74 : i1 to i32
      %sign3A_76 = arith.constant 0 : i32
      %sign3A_77 = arith.cmpi slt, %jit3A_62, %sign3A_76 : i32
      %sign3A_78 = arith.extui %sign3A_77 : i1 to i32
      %sign3A_79 = arith.subi %sign3A_75, %sign3A_78 : i32
      %ne3A = vector.broadcast %sign3A_79 : i32 to vector<1024x1024xi32>
      %ne3A_80 = arith.cmpi ne, %sign3A_72, %ne3A : vector<1024x1024xi32>
      %rem3A = vector.broadcast %jit3A_62 : i32 to vector<1024x1024xi32>
      %rem3A_81 = arith.remsi %iota3A, %rem3A : vector<1024x1024xi32>
      %ne3A_82 = arith.constant 0 : i32
      %ne3A_83 = vector.broadcast %ne3A_82 : i32 to vector<1024x1024xi32>
      %ne3A_84 = arith.cmpi ne, %rem3A_81, %ne3A_83 : vector<1024x1024xi32>
      %and3A = arith.andi %ne3A_80, %ne3A_84 : vector<1024x1024xi1>
      %sub3A_85 = arith.constant 1 : i32
      %sub3A_86 = vector.broadcast %sub3A_85 : i32 to vector<1024x1024xi32>
      %sub3A_87 = arith.subi %div3A_64, %sub3A_86 : vector<1024x1024xi32>
      %select_n3A_88 = arith.select %and3A, %sub3A_87, %div3A_64 : vector<1024x1024xi1>, vector<1024x1024xi32>
      %jit3A_89 = arith.constant 32 : i32
      %div3A_90 = vector.broadcast %jit3A_89 : i32 to vector<1024x1024xi32>
      %div3A_91 = arith.divsi %iota3A_56, %div3A_90 : vector<1024x1024xi32>
      %sign3A_92 = arith.constant 0 : i32
      %sign3A_93 = vector.broadcast %sign3A_92 : i32 to vector<1024x1024xi32>
      %sign3A_94 = arith.cmpi sgt, %iota3A_56, %sign3A_93 : vector<1024x1024xi32>
      %sign3A_95 = arith.extui %sign3A_94 : vector<1024x1024xi1> to vector<1024x1024xi32>
      %sign3A_96 = arith.constant 0 : i32
      %sign3A_97 = vector.broadcast %sign3A_96 : i32 to vector<1024x1024xi32>
      %sign3A_98 = arith.cmpi slt, %iota3A_56, %sign3A_97 : vector<1024x1024xi32>
      %sign3A_99 = arith.extui %sign3A_98 : vector<1024x1024xi1> to vector<1024x1024xi32>
      %sign3A_100 = arith.subi %sign3A_95, %sign3A_99 : vector<1024x1024xi32>
      %sign3A_101 = arith.constant 0 : i32
      %sign3A_102 = arith.cmpi sgt, %jit3A_89, %sign3A_101 : i32
      %sign3A_103 = arith.extui %sign3A_102 : i1 to i32
      %sign3A_104 = arith.constant 0 : i32
      %sign3A_105 = arith.cmpi slt, %jit3A_89, %sign3A_104 : i32
      %sign3A_106 = arith.extui %sign3A_105 : i1 to i32
      %sign3A_107 = arith.subi %sign3A_103, %sign3A_106 : i32
      %ne3A_108 = vector.broadcast %sign3A_107 : i32 to vector<1024x1024xi32>
      %ne3A_109 = arith.cmpi ne, %sign3A_100, %ne3A_108 : vector<1024x1024xi32>
      %rem3A_110 = vector.broadcast %jit3A_89 : i32 to vector<1024x1024xi32>
      %rem3A_111 = arith.remsi %iota3A_56, %rem3A_110 : vector<1024x1024xi32>
      %ne3A_112 = arith.constant 0 : i32
      %ne3A_113 = vector.broadcast %ne3A_112 : i32 to vector<1024x1024xi32>
      %ne3A_114 = arith.cmpi ne, %rem3A_111, %ne3A_113 : vector<1024x1024xi32>
      %and3A_115 = arith.andi %ne3A_109, %ne3A_114 : vector<1024x1024xi1>
      %sub3A_116 = arith.constant 1 : i32
      %sub3A_117 = vector.broadcast %sub3A_116 : i32 to vector<1024x1024xi32>
      %sub3A_118 = arith.subi %div3A_91, %sub3A_117 : vector<1024x1024xi32>
      %select_n3A_119 = arith.select %and3A_115, %sub3A_118, %div3A_91 : vector<1024x1024xi1>, vector<1024x1024xi32>
      %eq3A_120 = arith.cmpi eq, %select_n3A_88, %select_n3A_119 : vector<1024x1024xi32>
      %gt3A = vector.broadcast %broadcast_in_dim3A_61 : vector<1x1024xf32> to vector<1024x1024xf32>
      %gt3A_121 = vector.broadcast %div3A_55 : vector<1024x1xf32> to vector<1024x1024xf32>
      %gt3A_122 = arith.cmpf ogt, %gt3A, %gt3A_121 : vector<1024x1024xf32>
      %eq3A_123 = vector.broadcast %broadcast_in_dim3A_61 : vector<1x1024xf32> to vector<1024x1024xf32>
      %eq3A_124 = vector.broadcast %div3A_55 : vector<1024x1xf32> to vector<1024x1024xf32>
      %eq3A_125 = arith.cmpf oeq, %eq3A_123, %eq3A_124 : vector<1024x1024xf32>
      %lt3A = arith.cmpi slt, %iota3A_56, %iota3A : vector<1024x1024xi32>
      %and3A_126 = arith.andi %eq3A_125, %lt3A : vector<1024x1024xi1>
      %or3A = arith.ori %gt3A_122, %and3A_126 : vector<1024x1024xi1>
      %and3A_127 = arith.andi %or3A, %eq3A_120 : vector<1024x1024xi1>
      %jit3A_128 = arith.constant 1.000000e+00 : f32
      %jit3A_129 = arith.constant 0.000000e+00 : f32
      %broadcast_in_dim3A_130 = vector.broadcast %jit3A_128 : f32 to vector<1024x1024xf32>
      %broadcast_in_dim3A_131 = vector.broadcast %jit3A_129 : f32 to vector<1024x1024xf32>
      %select_n3A_132 = arith.select %and3A_127, %broadcast_in_dim3A_130, %broadcast_in_dim3A_131 : vector<1024x1024xi1>, vector<1024x1024xf32>
      %reduce_sum3A_133 = arith.constant dense<0.000000e+00> : vector<1024xf32>
      %reduce_sum3A_134 = vector.multi_reduction <add>, %select_n3A_132, %reduce_sum3A_133 [1] : vector<1024x1024xf32> to vector<1024xf32>
      %broadcast_in_dim3A_135 = vector.shape_cast %reduce_sum3A_134 : vector<1024xf32> to vector<1024x1xf32>
      %lt3A_136 = arith.constant 1.600000e+01 : f32
      %lt3A_137 = vector.broadcast %lt3A_136 : f32 to vector<1024x1xf32>
      %lt3A_138 = arith.cmpf olt, %broadcast_in_dim3A_135, %lt3A_137 : vector<1024x1xf32>
      %convert_element_type3A_139 = arith.extui %lt3A_138 : vector<1024x1xi1> to vector<1024x1xi32>
      %convert_element_type3A_140 = arith.sitofp %convert_element_type3A_139 : vector<1024x1xi32> to vector<1024x1xf32>
      %lt3A_141 = arith.cmpi slt, %iota3A_56, %iota3A : vector<1024x1024xi32>
      %convert_element_type3A_142 = arith.extui %lt3A_141 : vector<1024x1024xi1> to vector<1024x1024xi32>
      %convert_element_type3A_143 = arith.sitofp %convert_element_type3A_142 : vector<1024x1024xi32> to vector<1024x1024xf32>
      %dot_general3A_144 = arith.constant dense<0.000000e+00> : vector<1024x1xf32>
      %dot_general3A_145 = tpu.matmul %convert_element_type3A_143, %convert_element_type3A_140, %dot_general3A_144 {dimension_numbers = #tpu.dot_dimension_numbers<[1], [0], [0], [1], [0, 0, 1, 1], [], []>, transpose_lhs_hint = false} : vector<1024x1024xf32>, vector<1024x1xf32>, vector<1024x1xf32> -> vector<1024x1xf32>
      %iota3A_146 = tpu.iota {dimensions = array<i32: 1>} : vector<1024x512xi32>
      %convert_element_type3A_147 = arith.fptosi %dot_general3A_145 : vector<1024x1xf32> to vector<1024x1xi32>
      %eq3A_148 = vector.broadcast %convert_element_type3A_147 : vector<1024x1xi32> to vector<1024x512xi32>
      %eq3A_149 = arith.cmpi eq, %eq3A_148, %iota3A_146 : vector<1024x512xi32>
      %gt3A_150 = arith.constant 0.000000e+00 : f32
      %gt3A_151 = vector.broadcast %gt3A_150 : f32 to vector<1024x1xf32>
      %gt3A_152 = arith.cmpf ogt, %convert_element_type3A_140, %gt3A_151 : vector<1024x1xf32>
      %and3A_153 = vector.broadcast %gt3A_152 : vector<1024x1xi1> to vector<1024x512xi1>
      %and3A_154 = arith.andi %eq3A_149, %and3A_153 : vector<1024x512xi1>
      %iota3A_155 = tpu.iota {dimensions = array<i32: 0>} : vector<1024x512xi32>
      %jit3A_156 = arith.constant 0 : i32
      %broadcast_in_dim3A_157 = vector.broadcast %jit3A_156 : i32 to vector<1024x512xi32>
      %select_n3A_158 = arith.select %and3A_154, %iota3A_155, %broadcast_in_dim3A_157 : vector<1024x512xi1>, vector<1024x512xi32>
      %reduce_sum3A_159 = arith.constant dense<0> : vector<512xi32>
      %reduce_sum3A_160 = vector.multi_reduction <add>, %select_n3A_158, %reduce_sum3A_159 [0] : vector<1024x512xi32> to vector<512xi32>
      %broadcast_in_dim3A_161 = vector.shape_cast %reduce_sum3A_160 : vector<512xi32> to vector<1x512xi32>
      %swap3A_162 = arith.constant 0 : index
      %swap3A_163 = arith.constant 0 : index
      %swap3A_164 = vector.load %arg6[%swap3A_162, %swap3A_163] : memref<1x512xi32, #tpu.memory_space<vmem>>, vector<1x512xi32>
      tpu.vector_store %arg6[%swap3A_162, %swap3A_163], %broadcast_in_dim3A_161 {strides = array<i32>} : memref<1x512xi32, #tpu.memory_space<vmem>>, vector<1x512xi32>,
    } else {
    }
    return
  }
  func.func @transform_0(%arg0: i32) -> (i32, i32) {
    %c0_i32 = arith.constant 0 : i32
    %c0_i32_0 = arith.constant 0 : i32
    return %arg0, %c0_i32 : i32, i32
  }
  func.func @transform_1(%arg0: i32) -> (i32, i32) {
    %c0_i32 = arith.constant 0 : i32
    %c0_i32_0 = arith.constant 0 : i32
    %c0_i32_1 = arith.constant 0 : i32
    return %c0_i32, %c0_i32_0 : i32, i32
  }
  func.func @transform_2(%arg0: i32) -> (i32, i32) {
    %c0_i32 = arith.constant 0 : i32
    %c0_i32_0 = arith.constant 0 : i32
    %c0_i32_1 = arith.constant 0 : i32
    return %c0_i32, %c0_i32_0 : i32, i32
  }
  func.func @transform_3(%arg0: i32) -> (i32, i32) {
    %c0_i32 = arith.constant 0 : i32
    %c0_i32_0 = arith.constant 0 : i32
    %c0_i32_1 = arith.constant 0 : i32
    return %c0_i32, %c0_i32_0 : i32, i32
  }
  func.func @transform_4(%arg0: i32) -> (i32, i32) {
    %c0_i32 = arith.constant 0 : i32
    %c0_i32_0 = arith.constant 0 : i32
    %c0_i32_1 = arith.constant 0 : i32
    return %c0_i32, %c0_i32_0 : i32, i32
  }
  func.func @transform_5(%arg0: i32) -> (i32, i32) {
    %c0_i32 = arith.constant 0 : i32
    %c0_i32_0 = arith.constant 0 : i32
    %c0_i32_1 = arith.constant 0 : i32
    return %c0_i32, %c0_i32_0 : i32, i32
  }
}

</mosaic_0001>

<sc_bundles>
// kernel: kernel.4.cloned.1.call-start
scs
__scs_entry_jumppad:
0x0: {  	(pc) =	sbr.rel $0x88, $3  }
0x1: {  	(tag) =	ssettag $0x0;
	lr =	simm.s32 $0x1  }
0x2: {  	[smem:$0x3F9C] =	sst lr;
	_ =	strace $0xD0000000  }
0x3: {  	_ = 	snop  }
0x4: {  	_ = 	snop  }
0x5: {  	_ = 	snop  }
0x6: {  	_ = 	snop  }
0x7: {  	_ = 	snop  }
__scs_overlays_trampoline_lowered:
0x8: {  	[smem:$0x3FAB] =	sst s0  }
0x9: {  	[smem:$0x3FAC] =	sst s1  }
0xa: {  	[smem:$0x3FAD] =	sst s2  }
0xb: {  	[smem:$0x3FAE] =	sst s3  }
0xc: {  	[smem:$0x3FAF] =	sst s4  }
0xd: {  	[smem:$0x3FB0] =	sst s5  }
0xe: {  	[smem:$0x3FB1] =	sst s6  }
0xf: {  	[smem:$0x3FB2] =	sst s7  }
0x10: {  	[smem:$0x3FB3] =	sst s8  }
0x11: {  	[smem:$0x3FB4] =	sst s9;
	s0 =	simm.s32 @!p0 $0x0  }
0x12: {  	s1 =	sld [smem:$0x3F9A];
	s0 =	simm.s32 @p0 $0x1  }
0x13: {  	[smem:$0x3FB5] =	sst s0;
	s0 =	simm.s32 @!p1 $0x0  }
0x14: {  	s2 =	sld [smem:$0x3F99];
	s0 =	simm.s32 @p1 $0x1  }
0x15: {  	[smem:$0x3FB6] =	sst s0;
	s0 =	simm.s32 @!p2 $0x0  }
0x16: {  	s3 =	sld [smem:$0x3FDB];
	s0 =	simm.s32 @p2 $0x1  }
0x17: {  	s4 =	simm.s32 $0x1BF5;
	[smem:$0x3FB8] =	sst s0  }
0x18: {  	s0 =	sld [smem:$0x3F9B];
	_ =	swait.ge [sflag:s4], $0x0  }
0x19: {  	s7 =	sld [smem:$0x3F9C]  }
0x1a: {  	s8 =	sadd.s32 $0xFFFFE003, lr  }
0x1b: {  	s9 =	sadd.s32 $0xFFFFFEF7, lr;
	s5 =	simm.s32 $0xFFFFFFFF;
	p2 =	slt.u32 s8, $0xFFFFF086  }
0x1c: {  	p1 =	slt.u32 s9, $0xF7A;
	s5 =	simm.s32 @!p2 $0x0  }
0x1d: {  	s5 =	simm.s32 @p1 $0x1;
	p0 =	seq.s32 s7, s2  }
0x1e: {  	s7 =	smul.u32 @!p0 $0xF7A, s2;
	p2 =	seq.s32 @!p0 s5, $0x0  }
0x1f: {  	s9 =	smul.u32 $0xF7A, s1;
	s8 =	simm.s32 @!p0 $0x1BF5;
	p2 =	por !p2, p0  }
0x20: {  	[sflag:s8] =	ssyncset.s32 @!p0 $0xFFFFF086;
	s6 =	sadd.s32 @!p0 s3, s7;
	s7 =	simm.s32 @!p0 $0x108  }
0x21: {  	s3 =	sadd.s32 s3, s9;
	s6 =	sadd.s32 @!p0 $0x88, s6;
	s7 =	simm.s32 @p2 $0x1082  }
0x22: {  	[simem:s7], [sflag:s8] =	dma.local @!p0 [hbm:s6], $0xF7A  }
0x23: {  	s9 =	sor.u32 $0xD0000000, s2;
	s6 =	simm.s32 $0x108;
	_ =	swait.ge @!p0 [sflag:s8], $0x0  }
0x24: {  	s3 =	sadd.s32 $0x88, s3;
	s6 =	simm.s32 @!p1 $0x1082;
	[sflag:s4] =	ssyncset.s32 $0xFFFFF086  }
0x25: {  	[simem:s6], [sflag:s4] =	dma.local [hbm:s3], $0xF7A  }
0x26: {  	[smem:$0x3F9C] =	sst s1;
	(tag) =	ssettag s2;
	_ =	strace s9  }
0x27: {  	s1 =	sld [smem:$0x3FAC]  }
0x28: {  	s2 =	sld [smem:$0x3FAD]  }
0x29: {  	s4 =	sld [smem:$0x3FAF]  }
0x2a: {  	p0 =	seq.s32 s5, $0x0;
	s5 =	sld [smem:$0x3FB0]  }
0x2b: {  	s6 =	sld [smem:$0x3FB1]  }
0x2c: {  	s7 =	sld [smem:$0x3FB2]  }
0x2d: {  	s3 =	simm.s32 $0x108;
	s8 =	sld [smem:$0x3FB3]  }
0x2e: {  	s3 =	simm.s32 @!p0 $0x1082;
	s9 =	sld [smem:$0x3FB4]  }
0x2f: {  	lr =	sadd.s32 s0, s3;
	s0 =	sld [smem:$0x3FAB]  }
0x30: {  	s3 =	sld [smem:$0x3FAE]  }
0x31: {  	[smem:$0x3FB7] =	sst s10  }
0x32: {  	s10 =	sld [smem:$0x3FB5];
	_ =	sdelay $0x3  }
0x33: {  	p0 =	seq.s32 s10, $0x1;
	s10 =	sld [smem:$0x3FB7];
	_ =	sdelay $0x3  }
0x34: {  	[smem:$0x3FB7] =	sst s10  }
0x35: {  	s10 =	sld [smem:$0x3FB6];
	_ =	sdelay $0x3  }
0x36: {  	p1 =	seq.s32 s10, $0x1;
	s10 =	sld [smem:$0x3FB7];
	_ =	sdelay $0x3  }
0x37: {  	[smem:$0x3FB7] =	sst s10  }
0x38: {  	s10 =	sld [smem:$0x3FB8]  }
0x39: {  	_ = 	snop;
	(pc) =	sbr.ind lr, $3  }
0x3a: {  	_ = 	snop  }
0x3b: {  	_ = 	snop  }
0x3c: {  	p2 =	seq.s32 s10, $0x1;
	s10 =	sld [smem:$0x3FB7]  }
0x3d: {  	_ =	shalt  }
0x3e: {  	_ =	shalt  }
0x3f: {  	_ =	shalt  }
0x40: {  	_ =	shalt  }
0x41: {  	_ =	shalt  }
0x42: {  	_ =	shalt  }
0x43: {  	_ =	shalt  }
0x44: {  	_ =	shalt  }
0x45: {  	_ =	shalt  }
0x46: {  	_ =	shalt  }
0x47: {  	_ =	shalt  }
0x48: {  	_ =	shalt  }
0x49: {  	_ =	shalt  }
0x4a: {  	_ =	shalt  }
0x4b: {  	_ =	shalt  }
0x4c: {  	_ =	shalt  }
0x4d: {  	_ =	shalt  }
0x4e: {  	_ =	shalt  }
0x4f: {  	_ =	shalt  }
0x50: {  	_ =	shalt  }
0x51: {  	_ =	shalt  }
0x52: {  	_ =	shalt  }
0x53: {  	_ =	shalt  }
0x54: {  	_ =	shalt  }
0x55: {  	_ =	shalt  }
0x56: {  	_ =	shalt  }
0x57: {  	_ =	shalt  }
0x58: {  	_ =	shalt  }
0x59: {  	_ =	shalt  }
0x5a: {  	_ =	shalt  }
0x5b: {  	_ =	shalt  }
0x5c: {  	_ =	shalt  }
0x5d: {  	_ =	shalt  }
0x5e: {  	_ =	shalt  }
0x5f: {  	_ =	shalt  }
0x60: {  	_ =	shalt  }
0x61: {  	_ =	shalt  }
0x62: {  	_ =	shalt  }
0x63: {  	_ =	shalt  }
0x64: {  	_ =	shalt  }
0x65: {  	_ =	shalt  }
0x66: {  	_ =	shalt  }
0x67: {  	_ =	shalt  }
0x68: {  	_ =	shalt  }
0x69: {  	_ =	shalt  }
0x6a: {  	_ =	shalt  }
0x6b: {  	_ =	shalt  }
0x6c: {  	_ =	shalt  }
0x6d: {  	_ =	shalt  }
0x6e: {  	_ =	shalt  }
0x6f: {  	_ =	shalt  }
0x70: {  	_ =	shalt  }
0x71: {  	_ =	shalt  }
0x72: {  	_ =	shalt  }
0x73: {  	_ =	shalt  }
0x74: {  	_ =	shalt  }
0x75: {  	_ =	shalt  }
0x76: {  	_ =	shalt  }
0x77: {  	_ =	shalt  }
0x78: {  	_ =	shalt  }
0x79: {  	_ =	shalt  }
0x7a: {  	_ =	shalt  }
0x7b: {  	_ =	shalt  }
0x7c: {  	_ =	shalt  }
0x7d: {  	_ =	shalt  }
0x7e: {  	_ =	shalt  }
0x7f: {  	_ =	shalt  }
0x80: {  	_ =	shalt  }
0x81: {  	_ =	shalt  }
0x82: {  	_ =	shalt  }
0x83: {  	_ =	shalt  }
0x84: {  	_ =	shalt  }
0x85: {  	_ =	shalt  }
0x86: {  	_ =	shalt  }
0x87: {  	_ =	shalt  }
.Lfunc_end0:
.L_simem_size_0:
called_computation_lowered:
.L_overlay_start_0:
0x88: {  	s0 =	sld [smem:$0x3FD9]  }
0x89: {  	s1 =	sld [smem:$0x3FFE];
	_ =	sdelay $0x3  }
0x8a: {  	s0 =	sadd.s32 s1, s0  }
0x8b: {  	[smem:$0x3FC3] =	sst s0  }
0x8c: {  	_ = 	snop  }
0x8d: {  	s0 =	sld [smem:$0x3FC9]  }
0x8e: {  	s16 =	sld [smem:$0x3FD0];
	(tm) =	ssettm $0x1  }
0x8f: {  	s2 =	sld [smem:$0x3FFB];
	_ =	sdelay $0x3  }
0x90: {  	_ =	strace s2  }
0x91: {  	s2 =	sld [smem:$0x3FFC];
	_ =	sdelay $0x3  }
0x92: {  	_ =	strace s2  }
0x93: {  	s2 =	sld [smem:$0x3FFD];
	_ =	sdelay $0x3  }
0x94: {  	_ =	strace s2  }
0x95: {  	_ =	strace $0x8FFFFFFF  }
0x96: {  	s17 =	sld [smem:$0x3FDB];
	_ =	sdelay $0x1  }
0x97: {  	s3 =	simm.s32 $_scs_section_size  }
0x98: {  	s4 =	simm.s32 $_size__tile_overlayer_lowered;
	s5 =	simm.s32 $_tile_overlayer_lowered  }
0x99: {  	s20 =	simm.s32 $0x1BFF;
	s19 =	sshll.u32 s5, $0x1;
	s2 =	sadd.s32 s3, s17  }
0x9a: {  	s6 =	simm.s32 $0x0;
	s18 =	sshll.u32 s4, $0x1;
	s4 =	sadd.s32 s19, s2  }
0x9b: {  	[timem:s6], [sflag:s20] =	dma.local [hbm:s4], s18  }
0x9c: {  	_ =	swait.ge [sflag:s20], s18  }
0x9d: {  	s3 =	ssub.s32 $0x0, s18;
	[sflag:s20] =	ssyncset.done $0x0  }
0x9e: {  	[sflag:s20] =	ssyncadd.s32 s3;
	_ =	sdelay $0x1  }
0x9f: {  	s21 =	simm.s32 $0x1B8B  }
0xa0: {  	_ =	swait.ge [sflag:s21], $0x1  }
0xa1: {  	[sflag:s21] =	ssyncset.done $0x0  }
0xa2: {  	s23 =	simm.s32 $0x1B8E;
	s22 =	sld [smem:$0x3FFE];
	[sflag:s21] =	ssyncadd.s32 $0xFFFFFFFF  }
0xa3: {  	s24 =	simm.s32 $execute0_lowered;
	[smem:$0x3FD2] =	sst s23  }
0xa4: {  	s4 =	sshll.u32 s24, $0x1;
	_ =	strace $0x80000046;
	[dreg:$0x1] =	wrdreg $0xFFFFFFFF  }
0xa5: {  	s25 =	simm.s32 $_size_execute0_lowered;
	s2 =	sadd.s32 s2, s4;
	[dreg:$0x0] =	wrdreg $0x0  }
0xa6: {  	s4 =	sshll.u32 s25, $0x1;
	[dreg:$0x2] =	wrdreg s2  }
0xa7: {  	[dreg:$0x3] =	wrdreg s4  }
0xa8: {  	[dreg:$0x4] =	wrdreg $0xC0  }
0xa9: {  	_ =	task [dreg:s6], $0x5FFFF  }
0xaa: {  	[dreg:$0x1] =	wrdreg $0xFFFFFFFF  }
0xab: {  	[dreg:$0x0] =	wrdreg $0x60  }
0xac: {  	[dreg:$0x2] =	wrdreg s0  }
0xad: {  	[dreg:$0x3] =	wrdreg s22  }
0xae: {  	[dreg:$0x4] =	wrdreg s16  }
0xaf: {  	[dreg:$0x5] =	wrdreg $0x9  }
0xb0: {  	_ =	task.clear_ibuf [dreg:s6], $0x6FFFF;
	_ =	strace $0x90000046  }
0xb1: {  	s26 =	simm.s32 $0x9;
	_ =	strace $0x80000048  }
0xb2: {  	_ =	swait.ge [sflag:s26], $0x1  }
0xb3: {  	[sflag:s26] =	ssyncadd.s32 $0xFFFFFFFF  }
0xb4: {  	_ =	strace $0x90000048  }
0xb5: {  	_ =	sfence  }
0xb6: {  	s28 =	sld [smem:$0x0];
	_ =	sdelay $0x1  }
0xb7: {  	s29 =	srdreg.scid  }
0xb8: {  	s30 =	sshll.u32 s29, $0xD;
	s31 =	sshrl.u32 s29, $0x2  }
0xb9: {  	s1 =	sand.u32 $0x1, s29;
	s2 =	sand.u32 $0x4000, s30;
	s0 =	sadd.s32 s31, s28  }
0xba: {  	s1 =	sor.u32 s2, s1;
	s0 =	sshll.u32 s0, $0x11  }
0xbb: {  	s0 =	sor.u32 s0, s1  }
0xbc: {  	s0 =	sadd.s32 $0x8F2B, s0  }
0xbd: {  	[sflag:s0] =	ssyncadd.remote.s32 $0x1  }
0xbe: {  	_ =	sfence.sel $0xFFFF  }
0xbf: {  	[dreg:$0x0] =	wrdreg $0xFFFFFFFF;
	(pc) =	sbr.abs _section_cstart, $3  }
0xc0: {  	[dreg:$0x1] =	wrdreg $0xFFFFFFFF  }
0xc1: {  	_ =	task.clear_ibuf [dreg:s6], $0x2FFFF;
	_ =	strace $0x9FFFFFFF  }
0xc2: {  	(tm) =	ssettm $0x7FFFFFFF  }
0xc3: {  	_ =	shalt  }
tec
execute0_lowered:
.L_overlay_start_1:
0x0: {  	(tag) =	ssettag $0x1  }
0x1: {  	s5 =	rddreg [dreg:$0x0]  }
0x2: {  	s4 =	rddreg [dreg:$0x1]  }
0x3: {  	s2 =	rddreg [dreg:$0x2];
	s1 =	stileid.u32  }
0x4: {  	s0 =	rddreg [dreg:$0x3];
	s3 =	simm.s32 $0x0;
	s6 =	sshll.u32 s1, $0x2  }
0x5: {  	[smem:$0x7FF] =	sst s3;
	s4 =	sadd.s32 s6, s4  }
0x6: {  	s17 =	simm.s32 $0x2;
	_ =	strace $0x80000047;
	s4 =	sadd.s32 $0xA00, s4  }
0x7: {  	[tilespmem:s3], [sflag:$0x2] =	stream.linear.gather [hbm4b:s4+s3], $0x20, $0x38;
	[tilespmem:$0x6080] =	vst v63  }
0x8: {  	_ =	swait.ge [sflag:s17], $0x20  }
0x9: {  	[sflag:s17] =	ssyncset.done $0x0  }
0xa: {  	[sflag:s17] =	ssyncadd.s32 $0xFFFFFFE0  }
0xb: {  	v0 =	vld [tilespmem:$0x0];
	_ =	sdelay $0x4  }
0xc: {  	v1 =	vshrl.u32 v0, $0x3  }
0xd: {  	v1 =	vmul.u32 $0x30, v1  }
0xe: {  	v2 =	vlaneseq.u32;
	v0 =	vand.u32 $0x7, v0  }
0xf: {  	v62 =	vand.u32 $0x7, v2;
	v3 =	vshrl.u32 v2, $0x3;
	v0 =	vor.u32 v0, v1  }
0x10: {  	v3 =	vmul.u32 $0x8, v3;
	v4 =	vperm.xlane v0, v62;
	_ =	sdelay $0x1  }
0x11: {  	v4 =	vadd.s32 v3, v4;
	_ =	sdelay $0x2  }
0x12: {  	v2 =	vor.u32 $0x8, v2  }
0x13: {  	vm0 =	vmmov $0xffff;
	s18 =	simm.s32 $0x80;
	v0 =	vperm.xlane v0, v2  }
0x14: {  	[tilespmem:s18], [sflag:$0x1] =	stream.indirect_vreg.gather [hbm4b:s5+s3], $0x80, v4, vm0, $0xb8;
	[tilespmem:$0x6080] =	vst v63  }
0x15: {  	s8 =	simm.s32 $0x880;
	s7 =	sadd.s32 $0x100, s5;
	v0 =	vadd.s32 v3, v0  }
0x16: {  	[tilespmem:s8], [sflag:$0x1] =	stream.indirect_vreg.gather [hbm4b:s7+s3], $0x80, v4, vm0, $0xb8;
	[tilespmem:$0x6080] =	vst v63  }
0x17: {  	s9 =	simm.s32 $0x1080;
	s19 =	sadd.s32 $0x200, s5  }
0x18: {  	[tilespmem:s9], [sflag:$0x1] =	stream.indirect_vreg.gather [hbm4b:s19+s3], $0x80, v4, vm0, $0xb8;
	[tilespmem:$0x6080] =	vst v63  }
0x19: {  	s20 =	simm.s32 $0x1880  }
0x1a: {  	[tilespmem:s20], [sflag:$0x1] =	stream.indirect_vreg.gather [hbm4b:s5+s3], $0x80, v0, vm0, $0xb8;
	[tilespmem:$0x6080] =	vst v63  }
0x1b: {  	s21 =	simm.s32 $0x2080  }
0x1c: {  	[tilespmem:s21], [sflag:$0x1] =	stream.indirect_vreg.gather [hbm4b:s7+s3], $0x80, v0, vm0, $0xb8;
	[tilespmem:$0x6080] =	vst v63  }
0x1d: {  	s22 =	simm.s32 $0x2880  }
0x1e: {  	[tilespmem:s22], [sflag:$0x1] =	stream.indirect_vreg.gather [hbm4b:s19+s3], $0x80, v0, vm0, $0xb8;
	[tilespmem:$0x6080] =	vst v63  }
0x1f: {  	v0 =	vld [tilespmem:$0x10];
	_ =	sdelay $0x4  }
0x20: {  	v63 =	vshrl.u32 v0, $0x3  }
0x21: {  	v4 =	vmul.u32 $0x30, v63  }
0x22: {  	v0 =	vand.u32 $0x7, v0  }
0x23: {  	v0 =	vor.u32 v0, v4  }
0x24: {  	v1 =	vperm.xlane v0, v62;
	_ =	sdelay $0x1  }
0x25: {  	v1 =	vadd.s32 v3, v1;
	_ =	sdelay $0x3  }
0x26: {  	s23 =	simm.s32 $0x3080;
	v0 =	vperm.xlane v0, v2  }
0x27: {  	[tilespmem:s23], [sflag:$0x1] =	stream.indirect_vreg.gather [hbm4b:s5+s3], $0x80, v1, vm0, $0xb8;
	[tilespmem:$0x6080] =	vst v63  }
0x28: {  	s24 =	simm.s32 $0x3880;
	v0 =	vadd.s32 v3, v0  }
0x29: {  	[tilespmem:s24], [sflag:$0x1] =	stream.indirect_vreg.gather [hbm4b:s7+s3], $0x80, v1, vm0, $0xb8;
	[tilespmem:$0x6080] =	vst v63  }
0x2a: {  	s25 =	simm.s32 $0x4080  }
0x2b: {  	[tilespmem:s25], [sflag:$0x1] =	stream.indirect_vreg.gather [hbm4b:s19+s3], $0x80, v1, vm0, $0xb8;
	[tilespmem:$0x6080] =	vst v63  }
0x2c: {  	s26 =	simm.s32 $0x4880  }
0x2d: {  	[tilespmem:s26], [sflag:$0x1] =	stream.indirect_vreg.gather [hbm4b:s5+s3], $0x80, v0, vm0, $0xb8;
	[tilespmem:$0x6080] =	vst v63  }
0x2e: {  	s28 =	simm.s32 $0x5080  }
0x2f: {  	[tilespmem:s28], [sflag:$0x1] =	stream.indirect_vreg.gather [hbm4b:s7+s3], $0x80, v0, vm0, $0xb8;
	[tilespmem:$0x6080] =	vst v63  }
0x30: {  	s29 =	simm.s32 $0x5880;
	s30 =	simm.s32 $0x1  }
0x31: {  	[tilespmem:s29], [sflag:$0x1] =	stream.indirect_vreg.gather [hbm4b:s19+s3], $0x80, v0, vm0, $0xb8;
	[tilespmem:$0x6080] =	vst v63  }
0x32: {  	s31 =	smul.u32 $0xC00, s1;
	_ =	swait.ge [sflag:s30], $0x6000  }
0x33: {  	[sflag:s30] =	ssyncset.done $0x0  }
0x34: {  	s2 =	sadd.s32 s2, s31;
	[sflag:s30] =	ssyncadd.s32 $0xFFFFA000  }
0x35: {  	[hbm4b:s2+s3] =	stream.linear.scatter [tilespmem:s18], [sflag:$0x2], $0x6000, $0x38;
	[tilespmem:$0x6080] =	vst v63  }
0x36: {  	_ =	swait.ge [sflag:s17], $0x6000  }
0x37: {  	[sflag:s17] =	ssyncset.done $0x0  }
0x38: {  	[sflag:s17] =	ssyncadd.s32 $0xFFFFA000  }
0x39: {  	_ =	sfence.sel $0x180000  }
0x3a: {  	[bflag:$0x0] =	sbarrier.arrive $0xFFFF  }
0x3b: {  	p0 =	sne.s32 s1, $0x0;
	_ =	strace $0x90000047  }
0x3c: {  	s0 =	sadd.s32 @!p0 $0x100000, s0;
	[bflag:$0x2] =	sbarrier.arrive $0xFFFF  }
0x3d: {  	[sflag:s0] =	ssyncadd.tile.s32 @!p0 $0x1;
	_ =	shalt  }
.Lfunc_end2:
_tile_overlayer_lowered:
.L_overlay_start_2:
0x3e: {  	(tag) =	ssettag $0x2  }
0x3f: {  	s0 =	rddreg [dreg:$0x0];
	s2 =	stileid.u32  }
0x40: {  	s1 =	rddreg [dreg:$0x1];
	p0 =	sne.s32 s2, $0x0  }
0x41: {  	s3 =	rddreg [dreg:$0x2];
	[bflag:$0x3] =	sbarrier.arrive $0xFFFF;
	s2 =	simm.s32 @!p0 $0x1C02  }
0x42: {  	[timem:s3], [sflag:s2] =	dma.local @!p0 [hbm:s0], s1  }
0x43: {  	s0 =	simm.s32 @!p0 $0x2  }
0x44: {  	_ =	swait.ge @!p0 [sflag:s0], s1  }
0x45: {  	s1 =	ssub.s32 @!p0 $0x0, s1;
	[sflag:s0] =	ssyncset.done @!p0 $0x0  }
0x46: {  	[sflag:s0] =	ssyncadd.s32 @!p0 s1  }
0x47: {  	[bflag:$0x3] =	sbarrier.arrive $0xFFFF  }
0x48: {  	_ =	shalt  }

</sc_bundles>
